<compile_context>
chip_gen: v7x
topology: tpu7x:2x2x1
jax: 0.10.2.dev20260603
libtpu: 0.0.44.dev20260713+nightly
codegen_flags: <defaults>
</compile_context>

<pallas_src>
import functools

import jax
import jax.numpy as jnp
import numpy as np
from jax.experimental import pallas as pl
from jax.experimental.pallas import tpu as pltpu
from jax.experimental.pallas import tpu_sc as plsc

_NVEC = [1000000, 1000000, 1000000]
_NC, _NS = 2, 16
_NW = _NC * _NS
_GCHUNK = 768
_BB = 2048


def _sc_gather_groups(U4, q_idx, n_rows):
    b_per_w = n_rows // _NW
    nch = b_per_w // _GCHUNK
    mesh = plsc.VectorSubcoreMesh(core_axis_name="c", subcore_axis_name="s")

    @functools.partial(
        pl.kernel,
        mesh=mesh,
        out_type=jax.ShapeDtypeStruct((n_rows, 128), jnp.float32),
        scratch_types=[
            pltpu.VMEM((b_per_w,), jnp.int32),
            pltpu.VMEM((_GCHUNK, 128), jnp.float32),
            pltpu.SemaphoreType.DMA,
        ],
    )
    def gather_kernel(table_hbm, idx_hbm, out_hbm, idx_v, rows_v, sem):
        wid = jax.lax.axis_index("s") * _NC + jax.lax.axis_index("c")
        base = wid * b_per_w
        pltpu.sync_copy(idx_hbm.at[pl.ds(base, b_per_w)], idx_v)

        @pl.loop(0, nch)
        def _(c):
            off = c * _GCHUNK
            pltpu.async_copy(
                table_hbm.at[idx_v.at[pl.ds(off, _GCHUNK)]], rows_v, sem
            ).wait()
            pltpu.sync_copy(rows_v, out_hbm.at[pl.ds(base + off, _GCHUNK)])

    return gather_kernel(U4, q_idx)


def _mlp_body(nmod, dim, g_ref, sel_ref, t_ref, w0_ref, wt_ref, b0_ref,
              w1_ref, b1_ref, o_ref):
    bb = g_ref.shape[1]
    lane_grp = jax.lax.broadcasted_iota(jnp.int32, (bb, 128), 1) // dim
    acc = None
    for k in range(nmod):
        m = lane_grp == sel_ref[k]
        gk = jnp.where(m, g_ref[k], 0.0)
        d = jnp.dot(gk, w0_ref[k], preferred_element_type=jnp.float32)
        acc = d if acc is None else acc + d
    h = jnp.tanh(acc + t_ref[...] * wt_ref[...] + b0_ref[...])
    o_ref[...] = jnp.sum(h * w1_ref[...], axis=1, keepdims=True) + b1_ref[...]


def kernel(batch_ind, batch_t, U, W0, b0, W1, b1):
    B, nmod = batch_ind.shape
    dim = U.shape[1]
    nhid = W0.shape[0]
    gpr = 128 // dim

    offs = jnp.asarray(np.cumsum([0] + _NVEC[:-1]), dtype=jnp.int32)
    fi = batch_ind.astype(jnp.int32).T + offs[:, None]
    q = (fi // gpr).reshape(-1)
    sel3 = (fi % gpr).reshape(nmod, B, 1)

    U4 = U.reshape(U.shape[0] * dim // 128, 128)
    G4 = _sc_gather_groups(U4, q, B * nmod)
    G43 = G4.reshape(nmod, B, 128)

    t2 = batch_t.reshape(B, 1)
    W0x = W0[:, : nmod * dim].T
    w0big = jnp.tile(W0x.reshape(nmod, 1, dim, nhid), (1, gpr, 1, 1))
    w0big = w0big.reshape(nmod, 128, nhid)
    w0t = W0[:, nmod * dim:].T
    b0r = b0.reshape(1, nhid)
    b1r = b1.reshape(1, 1)

    out = pl.pallas_call(
        functools.partial(_mlp_body, nmod, dim),
        grid=(B // _BB,),
        in_specs=[
            pl.BlockSpec((nmod, _BB, 128), lambda i: (0, i, 0)),
            pl.BlockSpec((nmod, _BB, 1), lambda i: (0, i, 0)),
            pl.BlockSpec((_BB, 1), lambda i: (i, 0)),
            pl.BlockSpec((nmod, 128, nhid), lambda i: (0, 0, 0)),
            pl.BlockSpec((1, nhid), lambda i: (0, 0)),
            pl.BlockSpec((1, nhid), lambda i: (0, 0)),
            pl.BlockSpec((1, nhid), lambda i: (0, 0)),
            pl.BlockSpec((1, 1), lambda i: (0, 0)),
        ],
        out_specs=pl.BlockSpec((_BB, 1), lambda i: (i, 0)),
        out_shape=jax.ShapeDtypeStruct((B, 1), jnp.float32),
    )(G43, sel3, t2, w0big, w0t, b0r, W1, b1r)
    return out

# --- scband reference (transcript-rebuilt; emitter-appended) ---
"""Pipeline reference for scband-etl-50337016709705 (READ-ONLY COPY).

The authoritative reference and input builder live on the scoring server;
editing this copy changes nothing except your own understanding.
"""

import jax, jax.numpy as jnp
import numpy as np

NVEC = [1000000, 1000000, 1000000]
DIM = 32
BATCH = 16384
NMOD = len(NVEC)


def setup_inputs(seed: int = 0) -> dict:
    key = jax.random.key(seed)
    ks = jax.random.split(key, 8)
    batch_ind = jax.random.randint(ks[0], (BATCH, NMOD), 0, 1000000)
    batch_t = jax.random.normal(ks[1], (BATCH,), dtype=jnp.float32)
    # learned params
    U = jax.random.uniform(ks[2], (int(np.sum(NVEC)), DIM), dtype=jnp.float32)
    d_in = NMOD * DIM + 1  # 97
    W0 = jax.random.normal(ks[3], (50, d_in), dtype=jnp.float32) * (1.0 / np.sqrt(d_in))
    b0 = jnp.zeros((50,), dtype=jnp.float32)
    W1 = jax.random.normal(ks[4], (1, 50), dtype=jnp.float32) * (1.0 / np.sqrt(50))
    b1 = jnp.zeros((1,), dtype=jnp.float32)
    return {"batch_ind": batch_ind, "batch_t": batch_t, "U": U, "W0": W0, "b0": b0, "W1": W1, "b1": b1}


def reference(batch_ind, batch_t, U, W0, b0, W1, b1):
    # ETL.predict_: split U by mode, gather per-mode embeddings, concat with time, MLP
    offsets = np.cumsum([0] + NVEC)
    embeddings = []
    for k in range(NMOD):
        Uk = U[offsets[k]:offsets[k + 1]]
        idx = batch_ind[:, k]
        embeddings.append(jnp.take(Uk, idx, axis=0).reshape((-1, DIM)))
    x = jnp.concatenate(embeddings + [batch_t.reshape(-1, 1)], axis=1)
    # NN([97, 50, 1]): one tanh hidden layer, linear output
    h = jnp.tanh(x @ W0.T + b0)
    out = h @ W1.T + b1
    return out

if __name__ == "__main__":
    import jax
    _d = setup_inputs()
    print(jax.jit(kernel)(*tuple(_d.values())))

</pallas_src>

<mosaic_0001>
#map = affine_map<(d0, d1) -> (0, 0)>
#map1 = affine_map<(d0, d1) -> (0)>
module attributes {stable_mosaic.version = 14 : i64} {
  func.func @gather_kernel(%arg0: i32, %arg1: i32, %arg2: memref<750000x128xf32, #tpu.memory_space<hbm>>, %arg3: memref<49152xi32, #tpu.memory_space<hbm>>, %arg4: memref<49152x128xf32, #tpu.memory_space<hbm>>, %arg5: memref<1536xi32, #tpu.memory_space<vmem>>, %arg6: memref<768x128xf32, #tpu.memory_space<vmem>>, %arg7: memref<!tpu.dma_semaphore, #tpu.memory_space<semaphore_mem>>) attributes {dimension_semantics = [#tpu.dimension_semantics<core_parallel>, #tpu.dimension_semantics<subcore_parallel>], iteration_bounds = array<i64: 2, 16>, scalar_prefetch = 0 : i64, scratch_operands = 3 : i64, tpu.core_type = #tpu.core_type<sc_vector_subcore>, window_params = [{transform_indices = #map}, {transform_indices = #map1}, {transform_indices = #map}]} {
    %mul3A = arith.constant 2 : i32
    %mul3A_0 = arith.muli %arg1, %mul3A : i32
    %add3A = arith.addi %mul3A_0, %arg0 : i32
    %mul3A_1 = arith.constant 1536 : i32
    %mul3A_2 = arith.muli %add3A, %mul3A_1 : i32
    "tpu.region"() ({
      %run_scoped3A = tpu.sem_alloc : memref<!tpu.dma_semaphore, #tpu.memory_space<semaphore_mem>>
      %dma_start3A = tpu.memref_slice %arg3[%mul3A_2] : memref<49152xi32, #tpu.memory_space<hbm>> -> memref<1536xi32, #tpu.memory_space<hbm>>
      %dma_start3A_7 = tpu.memref_slice %arg3[%mul3A_2] : memref<49152xi32, #tpu.memory_space<hbm>> -> memref<1536xi32, #tpu.memory_space<hbm>>
      tpu.enqueue_dma source(%dma_start3A_7 : memref<1536xi32, #tpu.memory_space<hbm>>) target(%arg5 : memref<1536xi32, #tpu.memory_space<vmem>>) target_semaphore(%run_scoped3A : memref<!tpu.dma_semaphore, #tpu.memory_space<semaphore_mem>>)
      %dma_wait3A = tpu.memref_slice %arg3[%mul3A_2] : memref<49152xi32, #tpu.memory_space<hbm>> -> memref<1536xi32, #tpu.memory_space<hbm>>
      %dma_wait3A_8 = tpu.memref_slice %arg3[%mul3A_2] : memref<49152xi32, #tpu.memory_space<hbm>> -> memref<1536xi32, #tpu.memory_space<hbm>>
      tpu.wait_dma2 semaphore(%run_scoped3A : memref<!tpu.dma_semaphore, #tpu.memory_space<semaphore_mem>>) src(%dma_wait3A_8 : memref<1536xi32, #tpu.memory_space<hbm>>) dst(%arg5 : memref<1536xi32, #tpu.memory_space<vmem>>)
      tpu.yield
    }) : () -> ()
    %scan3A = arith.constant 0 : i32
    %scan3A_3 = arith.constant 2 : i32
    %scan3A_4 = arith.addi %scan3A, %scan3A_3 : i32
    %scan3A_5 = arith.constant 1 : i32
    scf.for %scan3A_7 = %scan3A to %scan3A_4 step %scan3A_5  : i32 {
      %mul3A_8 = arith.constant 1 : i32
      %mul3A_9 = arith.muli %scan3A_7, %mul3A_8 : i32
      %add3A_10 = arith.constant 0 : i32
      %add3A_11 = arith.addi %add3A_10, %mul3A_9 : i32
      %mul3A_12 = arith.constant 768 : i32
      %mul3A_13 = arith.muli %add3A_11, %mul3A_12 : i32
      %dma_start3A = tpu.memref_slice %arg5[%mul3A_13] : memref<1536xi32, #tpu.memory_space<vmem>> -> memref<768xi32, #tpu.memory_space<vmem>>
      %dma_start3A_14 = arith.constant 0 : i32
      %dma_start3A_15 = arith.constant 0 : i32
      %dma_start3A_16 = tpu.memref_slice %arg2[%dma_start3A_14, %dma_start3A_15] : memref<750000x128xf32, #tpu.memory_space<hbm>> -> memref<750000x128xf32, #tpu.memory_space<hbm>>
      tpu.enqueue_indirect_dma source(%dma_start3A_16 : memref<750000x128xf32, #tpu.memory_space<hbm>>) target(%arg6 : memref<768x128xf32, #tpu.memory_space<vmem>>) offsets(%dma_start3A : memref<768xi32, #tpu.memory_space<vmem>>) semaphore(%arg7 : memref<!tpu.dma_semaphore, #tpu.memory_space<semaphore_mem>>)
      %dma_wait3A = tpu.memref_slice %arg5[%mul3A_13] : memref<1536xi32, #tpu.memory_space<vmem>> -> memref<768xi32, #tpu.memory_space<vmem>>
      %dma_wait3A_17 = arith.constant 0 : i32
      %dma_wait3A_18 = arith.constant 0 : i32
      %dma_wait3A_19 = tpu.memref_slice %arg2[%dma_wait3A_17, %dma_wait3A_18] : memref<750000x128xf32, #tpu.memory_space<hbm>> -> memref<750000x128xf32, #tpu.memory_space<hbm>>
      tpu.wait_indirect_dma semaphore(%arg7 : memref<!tpu.dma_semaphore, #tpu.memory_space<semaphore_mem>>) src(%dma_wait3A_19 : memref<750000x128xf32, #tpu.memory_space<hbm>>) dst(%arg6 : memref<768x128xf32, #tpu.memory_space<vmem>>)
      %add3A_20 = arith.addi %mul3A_2, %mul3A_13 : i32
      "tpu.region"() ({
        %run_scoped3A = tpu.sem_alloc : memref<!tpu.dma_semaphore, #tpu.memory_space<semaphore_mem>>
        %dma_start3A_21 = arith.constant 0 : i32
        %dma_start3A_22 = tpu.memref_slice %arg4[%add3A_20, %dma_start3A_21] : memref<49152x128xf32, #tpu.memory_space<hbm>> -> memref<768x128xf32, #tpu.memory_space<hbm>>
        %dma_start3A_23 = arith.constant 0 : i32
        %dma_start3A_24 = tpu.memref_slice %arg4[%add3A_20, %dma_start3A_23] : memref<49152x128xf32, #tpu.memory_space<hbm>> -> memref<768x128xf32, #tpu.memory_space<hbm>>
        tpu.enqueue_dma source(%arg6 : memref<768x128xf32, #tpu.memory_space<vmem>>) target(%dma_start3A_24 : memref<768x128xf32, #tpu.memory_space<hbm>>) target_semaphore(%run_scoped3A : memref<!tpu.dma_semaphore, #tpu.memory_space<semaphore_mem>>)
        %dma_wait3A_25 = arith.constant 0 : i32
        %dma_wait3A_26 = tpu.memref_slice %arg4[%add3A_20, %dma_wait3A_25] : memref<49152x128xf32, #tpu.memory_space<hbm>> -> memref<768x128xf32, #tpu.memory_space<hbm>>
        %dma_wait3A_27 = arith.constant 0 : i32
        %dma_wait3A_28 = tpu.memref_slice %arg4[%add3A_20, %dma_wait3A_27] : memref<49152x128xf32, #tpu.memory_space<hbm>> -> memref<768x128xf32, #tpu.memory_space<hbm>>
        tpu.wait_dma2 semaphore(%run_scoped3A : memref<!tpu.dma_semaphore, #tpu.memory_space<semaphore_mem>>) src(%arg6 : memref<768x128xf32, #tpu.memory_space<vmem>>) dst(%dma_wait3A_28 : memref<768x128xf32, #tpu.memory_space<hbm>>)
        tpu.yield
      }) : () -> ()
    }
    %scan3A_6 = arith.constant 2 : i32
    return
  }
}

module attributes {stable_mosaic.version = 14 : i64} {
  func.func @_mlp_body(%arg0: i32, %arg1: memref<3x2048x128xf32, #tpu.memory_space<vmem>>, %arg2: memref<3x2048x1xi32, #tpu.memory_space<vmem>>, %arg3: memref<2048x1xf32, #tpu.memory_space<vmem>>, %arg4: memref<3x128x50xf32, #tpu.memory_space<vmem>>, %arg5: memref<1x50xf32, #tpu.memory_space<vmem>>, %arg6: memref<1x50xf32, #tpu.memory_space<vmem>>, %arg7: memref<1x50xf32, #tpu.memory_space<vmem>>, %arg8: memref<1x1xf32, #tpu.memory_space<vmem>>, %arg9: memref<2048x1xf32, #tpu.memory_space<vmem>>) attributes {dimension_semantics = [#tpu.dimension_semantics<arbitrary>], iteration_bounds = array<i64: 8>, scalar_prefetch = 0 : i64, scratch_operands = 0 : i64, tpu.core_type = #tpu.core_type<tc>, window_params = [{transform_indices = @transform_0, window_bounds = array<i64: 3, 2048, 128>}, {transform_indices = @transform_1, window_bounds = array<i64: 3, 2048, 1>}, {transform_indices = @transform_2, window_bounds = array<i64: 2048, 1>}, {pipeline_mode = #tpu.pipeline_mode<synchronous>, transform_indices = @transform_3, window_bounds = array<i64: 3, 128, 50>}, {pipeline_mode = #tpu.pipeline_mode<synchronous>, transform_indices = @transform_4, window_bounds = array<i64: 1, 50>}, {pipeline_mode = #tpu.pipeline_mode<synchronous>, transform_indices = @transform_5, window_bounds = array<i64: 1, 50>}, {pipeline_mode = #tpu.pipeline_mode<synchronous>, transform_indices = @transform_6, window_bounds = array<i64: 1, 50>}, {pipeline_mode = #tpu.pipeline_mode<synchronous>, transform_indices = @transform_7, window_bounds = array<i64: 1, 1>}, {transform_indices = @transform_8, window_bounds = array<i64: 2048, 1>}]} {
    %iota3A = tpu.iota {dimensions = array<i32: 1>} : vector<2048x128xi32>
    %jit3A = arith.constant 32 : i32
    %div3A = vector.broadcast %jit3A : i32 to vector<2048x128xi32>
    %div3A_0 = arith.divsi %iota3A, %div3A : vector<2048x128xi32>
    %sign3A = arith.constant 0 : i32
    %sign3A_1 = vector.broadcast %sign3A : i32 to vector<2048x128xi32>
    %sign3A_2 = arith.cmpi sgt, %iota3A, %sign3A_1 : vector<2048x128xi32>
    %sign3A_3 = arith.extui %sign3A_2 : vector<2048x128xi1> to vector<2048x128xi32>
    %sign3A_4 = arith.constant 0 : i32
    %sign3A_5 = vector.broadcast %sign3A_4 : i32 to vector<2048x128xi32>
    %sign3A_6 = arith.cmpi slt, %iota3A, %sign3A_5 : vector<2048x128xi32>
    %sign3A_7 = arith.extui %sign3A_6 : vector<2048x128xi1> to vector<2048x128xi32>
    %sign3A_8 = arith.subi %sign3A_3, %sign3A_7 : vector<2048x128xi32>
    %sign3A_9 = arith.constant 0 : i32
    %sign3A_10 = arith.cmpi sgt, %jit3A, %sign3A_9 : i32
    %sign3A_11 = arith.extui %sign3A_10 : i1 to i32
    %sign3A_12 = arith.constant 0 : i32
    %sign3A_13 = arith.cmpi slt, %jit3A, %sign3A_12 : i32
    %sign3A_14 = arith.extui %sign3A_13 : i1 to i32
    %sign3A_15 = arith.subi %sign3A_11, %sign3A_14 : i32
    %ne3A = vector.broadcast %sign3A_15 : i32 to vector<2048x128xi32>
    %ne3A_16 = arith.cmpi ne, %sign3A_8, %ne3A : vector<2048x128xi32>
    %rem3A = vector.broadcast %jit3A : i32 to vector<2048x128xi32>
    %rem3A_17 = arith.remsi %iota3A, %rem3A : vector<2048x128xi32>
    %ne3A_18 = arith.constant 0 : i32
    %ne3A_19 = vector.broadcast %ne3A_18 : i32 to vector<2048x128xi32>
    %ne3A_20 = arith.cmpi ne, %rem3A_17, %ne3A_19 : vector<2048x128xi32>
    %and3A = arith.andi %ne3A_16, %ne3A_20 : vector<2048x128xi1>
    %sub3A = arith.constant 1 : i32
    %sub3A_21 = vector.broadcast %sub3A : i32 to vector<2048x128xi32>
    %sub3A_22 = arith.subi %div3A_0, %sub3A_21 : vector<2048x128xi32>
    %select_n3A = arith.select %and3A, %sub3A_22, %div3A_0 : vector<2048x128xi1>, vector<2048x128xi32>
    %get3A = arith.constant 0 : index
    %get3A_23 = arith.constant 0 : index
    %get3A_24 = arith.constant 0 : index
    %get3A_25 = vector.load %arg2[%get3A, %get3A_23, %get3A_24] : memref<3x2048x1xi32, #tpu.memory_space<vmem>>, vector<1x2048x1xi32>
    %get3A_26 = vector.shape_cast %get3A_25 : vector<1x2048x1xi32> to vector<2048x1xi32>
    %eq3A = vector.broadcast %get3A_26 : vector<2048x1xi32> to vector<2048x128xi32>
    %eq3A_27 = arith.cmpi eq, %select_n3A, %eq3A : vector<2048x128xi32>
    %get3A_28 = arith.constant 0 : index
    %get3A_29 = arith.constant 0 : index
    %get3A_30 = arith.constant 0 : index
    %get3A_31 = vector.load %arg1[%get3A_28, %get3A_29, %get3A_30] : memref<3x2048x128xf32, #tpu.memory_space<vmem>>, vector<1x2048x128xf32>
    %get3A_32 = vector.shape_cast %get3A_31 : vector<1x2048x128xf32> to vector<2048x128xf32>
    %jit3A_33 = arith.constant 0.000000e+00 : f32
    %broadcast_in_dim3A = vector.broadcast %jit3A_33 : f32 to vector<2048x128xf32>
    %select_n3A_34 = arith.select %eq3A_27, %get3A_32, %broadcast_in_dim3A : vector<2048x128xi1>, vector<2048x128xf32>
    %get3A_35 = arith.constant 0 : index
    %get3A_36 = arith.constant 0 : index
    %get3A_37 = arith.constant 0 : index
    %get3A_38 = vector.load %arg4[%get3A_35, %get3A_36, %get3A_37] : memref<3x128x50xf32, #tpu.memory_space<vmem>>, vector<1x128x50xf32>
    %get3A_39 = vector.shape_cast %get3A_38 : vector<1x128x50xf32> to vector<128x50xf32>
    %dot_general3A = arith.constant dense<0.000000e+00> : vector<2048x50xf32>
    %dot_general3A_40 = tpu.matmul %select_n3A_34, %get3A_39, %dot_general3A {dimension_numbers = #tpu.dot_dimension_numbers<[1], [0], [0], [1], [0, 0, 1, 1], [], []>, transpose_lhs_hint = false} : vector<2048x128xf32>, vector<128x50xf32>, vector<2048x50xf32> -> vector<2048x50xf32>
    %get3A_41 = arith.constant 1 : index
    %get3A_42 = arith.constant 0 : index
    %get3A_43 = arith.constant 0 : index
    %get3A_44 = vector.load %arg2[%get3A_41, %get3A_42, %get3A_43] : memref<3x2048x1xi32, #tpu.memory_space<vmem>>, vector<1x2048x1xi32>
    %get3A_45 = vector.shape_cast %get3A_44 : vector<1x2048x1xi32> to vector<2048x1xi32>
    %eq3A_46 = vector.broadcast %get3A_45 : vector<2048x1xi32> to vector<2048x128xi32>
    %eq3A_47 = arith.cmpi eq, %select_n3A, %eq3A_46 : vector<2048x128xi32>
    %get3A_48 = arith.constant 1 : index
    %get3A_49 = arith.constant 0 : index
    %get3A_50 = arith.constant 0 : index
    %get3A_51 = vector.load %arg1[%get3A_48, %get3A_49, %get3A_50] : memref<3x2048x128xf32, #tpu.memory_space<vmem>>, vector<1x2048x128xf32>
    %get3A_52 = vector.shape_cast %get3A_51 : vector<1x2048x128xf32> to vector<2048x128xf32>
    %jit3A_53 = arith.constant 0.000000e+00 : f32
    %broadcast_in_dim3A_54 = vector.broadcast %jit3A_53 : f32 to vector<2048x128xf32>
    %select_n3A_55 = arith.select %eq3A_47, %get3A_52, %broadcast_in_dim3A_54 : vector<2048x128xi1>, vector<2048x128xf32>
    %get3A_56 = arith.constant 1 : index
    %get3A_57 = arith.constant 0 : index
    %get3A_58 = arith.constant 0 : index
    %get3A_59 = vector.load %arg4[%get3A_56, %get3A_57, %get3A_58] : memref<3x128x50xf32, #tpu.memory_space<vmem>>, vector<1x128x50xf32>
    %get3A_60 = vector.shape_cast %get3A_59 : vector<1x128x50xf32> to vector<128x50xf32>
    %dot_general3A_61 = arith.constant dense<0.000000e+00> : vector<2048x50xf32>
    %dot_general3A_62 = tpu.matmul %select_n3A_55, %get3A_60, %dot_general3A_61 {dimension_numbers = #tpu.dot_dimension_numbers<[1], [0], [0], [1], [0, 0, 1, 1], [], []>, transpose_lhs_hint = false} : vector<2048x128xf32>, vector<128x50xf32>, vector<2048x50xf32> -> vector<2048x50xf32>
    %add3A = arith.addf %dot_general3A_40, %dot_general3A_62 : vector<2048x50xf32>
    %get3A_63 = arith.constant 2 : index
    %get3A_64 = arith.constant 0 : index
    %get3A_65 = arith.constant 0 : index
    %get3A_66 = vector.load %arg2[%get3A_63, %get3A_64, %get3A_65] : memref<3x2048x1xi32, #tpu.memory_space<vmem>>, vector<1x2048x1xi32>
    %get3A_67 = vector.shape_cast %get3A_66 : vector<1x2048x1xi32> to vector<2048x1xi32>
    %eq3A_68 = vector.broadcast %get3A_67 : vector<2048x1xi32> to vector<2048x128xi32>
    %eq3A_69 = arith.cmpi eq, %select_n3A, %eq3A_68 : vector<2048x128xi32>
    %get3A_70 = arith.constant 2 : index
    %get3A_71 = arith.constant 0 : index
    %get3A_72 = arith.constant 0 : index
    %get3A_73 = vector.load %arg1[%get3A_70, %get3A_71, %get3A_72] : memref<3x2048x128xf32, #tpu.memory_space<vmem>>, vector<1x2048x128xf32>
    %get3A_74 = vector.shape_cast %get3A_73 : vector<1x2048x128xf32> to vector<2048x128xf32>
    %jit3A_75 = arith.constant 0.000000e+00 : f32
    %broadcast_in_dim3A_76 = vector.broadcast %jit3A_75 : f32 to vector<2048x128xf32>
    %select_n3A_77 = arith.select %eq3A_69, %get3A_74, %broadcast_in_dim3A_76 : vector<2048x128xi1>, vector<2048x128xf32>
    %get3A_78 = arith.constant 2 : index
    %get3A_79 = arith.constant 0 : index
    %get3A_80 = arith.constant 0 : index
    %get3A_81 = vector.load %arg4[%get3A_78, %get3A_79, %get3A_80] : memref<3x128x50xf32, #tpu.memory_space<vmem>>, vector<1x128x50xf32>
    %get3A_82 = vector.shape_cast %get3A_81 : vector<1x128x50xf32> to vector<128x50xf32>
    %dot_general3A_83 = arith.constant dense<0.000000e+00> : vector<2048x50xf32>
    %dot_general3A_84 = tpu.matmul %select_n3A_77, %get3A_82, %dot_general3A_83 {dimension_numbers = #tpu.dot_dimension_numbers<[1], [0], [0], [1], [0, 0, 1, 1], [], []>, transpose_lhs_hint = false} : vector<2048x128xf32>, vector<128x50xf32>, vector<2048x50xf32> -> vector<2048x50xf32>
    %add3A_85 = arith.addf %add3A, %dot_general3A_84 : vector<2048x50xf32>
    %get3A_86 = arith.constant 0 : index
    %get3A_87 = arith.constant 0 : index
    %get3A_88 = vector.load %arg3[%get3A_86, %get3A_87] : memref<2048x1xf32, #tpu.memory_space<vmem>>, vector<2048x1xf32>
    %get3A_89 = arith.constant 0 : index
    %get3A_90 = arith.constant 0 : index
    %get3A_91 = vector.load %arg5[%get3A_89, %get3A_90] : memref<1x50xf32, #tpu.memory_space<vmem>>, vector<1x50xf32>
    %mul3A = vector.broadcast %get3A_88 : vector<2048x1xf32> to vector<2048x50xf32>
    %mul3A_92 = vector.broadcast %get3A_91 : vector<1x50xf32> to vector<2048x50xf32>
    %mul3A_93 = arith.mulf %mul3A, %mul3A_92 : vector<2048x50xf32>
    %add3A_94 = arith.addf %add3A_85, %mul3A_93 : vector<2048x50xf32>
    %get3A_95 = arith.constant 0 : index
    %get3A_96 = arith.constant 0 : index
    %get3A_97 = vector.load %arg6[%get3A_95, %get3A_96] : memref<1x50xf32, #tpu.memory_space<vmem>>, vector<1x50xf32>
    %add3A_98 = vector.broadcast %get3A_97 : vector<1x50xf32> to vector<2048x50xf32>
    %add3A_99 = arith.addf %add3A_94, %add3A_98 : vector<2048x50xf32>
    %tanh3A = math.tanh %add3A_99 : vector<2048x50xf32>
    %get3A_100 = arith.constant 0 : index
    %get3A_101 = arith.constant 0 : index
    %get3A_102 = vector.load %arg7[%get3A_100, %get3A_101] : memref<1x50xf32, #tpu.memory_space<vmem>>, vector<1x50xf32>
    %mul3A_103 = vector.broadcast %get3A_102 : vector<1x50xf32> to vector<2048x50xf32>
    %mul3A_104 = arith.mulf %tanh3A, %mul3A_103 : vector<2048x50xf32>
    %reduce_sum3A = arith.constant dense<0.000000e+00> : vector<2048xf32>
    %reduce_sum3A_105 = vector.multi_reduction <add>, %mul3A_104, %reduce_sum3A [1] : vector<2048x50xf32> to vector<2048xf32>
    %broadcast_in_dim3A_106 = vector.shape_cast %reduce_sum3A_105 : vector<2048xf32> to vector<2048x1xf32>
    %get3A_107 = arith.constant 0 : index
    %get3A_108 = arith.constant 0 : index
    %get3A_109 = vector.load %arg8[%get3A_107, %get3A_108] : memref<1x1xf32, #tpu.memory_space<vmem>>, vector<1x1xf32>
    %add3A_110 = vector.broadcast %get3A_109 : vector<1x1xf32> to vector<2048x1xf32>
    %add3A_111 = arith.addf %broadcast_in_dim3A_106, %add3A_110 : vector<2048x1xf32>
    %swap3A = arith.constant 0 : index
    %swap3A_112 = arith.constant 0 : index
    %swap3A_113 = vector.load %arg9[%swap3A, %swap3A_112] : memref<2048x1xf32, #tpu.memory_space<vmem>>, vector<2048x1xf32>
    tpu.vector_store %arg9[%swap3A, %swap3A_112], %add3A_111 {strides = array<i32>} : memref<2048x1xf32, #tpu.memory_space<vmem>>, vector<2048x1xf32>,
    return
  }
  func.func @transform_0(%arg0: i32) -> (i32, i32, i32) {
    %c0_i32 = arith.constant 0 : i32
    %c0_i32_0 = arith.constant 0 : i32
    %c0_i32_1 = arith.constant 0 : i32
    return %c0_i32, %arg0, %c0_i32_0 : i32, i32, i32
  }
  func.func @transform_1(%arg0: i32) -> (i32, i32, i32) {
    %c0_i32 = arith.constant 0 : i32
    %c0_i32_0 = arith.constant 0 : i32
    %c0_i32_1 = arith.constant 0 : i32
    return %c0_i32, %arg0, %c0_i32_0 : i32, i32, i32
  }
  func.func @transform_2(%arg0: i32) -> (i32, i32) {
    %c0_i32 = arith.constant 0 : i32
    %c0_i32_0 = arith.constant 0 : i32
    return %arg0, %c0_i32 : i32, i32
  }
  func.func @transform_3(%arg0: i32) -> (i32, i32, i32) {
    %c0_i32 = arith.constant 0 : i32
    %c0_i32_0 = arith.constant 0 : i32
    %c0_i32_1 = arith.constant 0 : i32
    %c0_i32_2 = arith.constant 0 : i32
    return %c0_i32, %c0_i32_0, %c0_i32_1 : i32, i32, i32
  }
  func.func @transform_4(%arg0: i32) -> (i32, i32) {
    %c0_i32 = arith.constant 0 : i32
    %c0_i32_0 = arith.constant 0 : i32
    %c0_i32_1 = arith.constant 0 : i32
    return %c0_i32, %c0_i32_0 : i32, i32
  }
  func.func @transform_5(%arg0: i32) -> (i32, i32) {
    %c0_i32 = arith.constant 0 : i32
    %c0_i32_0 = arith.constant 0 : i32
    %c0_i32_1 = arith.constant 0 : i32
    return %c0_i32, %c0_i32_0 : i32, i32
  }
  func.func @transform_6(%arg0: i32) -> (i32, i32) {
    %c0_i32 = arith.constant 0 : i32
    %c0_i32_0 = arith.constant 0 : i32
    %c0_i32_1 = arith.constant 0 : i32
    return %c0_i32, %c0_i32_0 : i32, i32
  }
  func.func @transform_7(%arg0: i32) -> (i32, i32) {
    %c0_i32 = arith.constant 0 : i32
    %c0_i32_0 = arith.constant 0 : i32
    %c0_i32_1 = arith.constant 0 : i32
    return %c0_i32, %c0_i32_0 : i32, i32
  }
  func.func @transform_8(%arg0: i32) -> (i32, i32) {
    %c0_i32 = arith.constant 0 : i32
    %c0_i32_0 = arith.constant 0 : i32
    return %arg0, %c0_i32 : i32, i32
  }
}

</mosaic_0001>

<sc_bundles>
// kernel: kernel.4.cloned.1.call-start
scs
__scs_entry_jumppad:
0x0: {  	(pc) =	sbr.rel $0x88, $3  }
0x1: {  	(tag) =	ssettag $0x0;
	lr =	simm.s32 $0x1  }
0x2: {  	[smem:$0x3F9A] =	sst lr;
	_ =	strace $0xD0000000  }
0x3: {  	_ = 	snop  }
0x4: {  	_ = 	snop  }
0x5: {  	_ = 	snop  }
0x6: {  	_ = 	snop  }
0x7: {  	_ = 	snop  }
__scs_overlays_trampoline_lowered:
0x8: {  	[smem:$0x3FA9] =	sst s0  }
0x9: {  	[smem:$0x3FAA] =	sst s1  }
0xa: {  	[smem:$0x3FAB] =	sst s2  }
0xb: {  	[smem:$0x3FAC] =	sst s3  }
0xc: {  	[smem:$0x3FAD] =	sst s4  }
0xd: {  	[smem:$0x3FAE] =	sst s5  }
0xe: {  	[smem:$0x3FAF] =	sst s6  }
0xf: {  	[smem:$0x3FB0] =	sst s7  }
0x10: {  	[smem:$0x3FB1] =	sst s8  }
0x11: {  	[smem:$0x3FB2] =	sst s9;
	s0 =	simm.s32 @!p0 $0x0  }
0x12: {  	s1 =	sld [smem:$0x3F98];
	s0 =	simm.s32 @p0 $0x1  }
0x13: {  	[smem:$0x3FB3] =	sst s0;
	s0 =	simm.s32 @!p1 $0x0  }
0x14: {  	s2 =	sld [smem:$0x3F97];
	s0 =	simm.s32 @p1 $0x1  }
0x15: {  	[smem:$0x3FB4] =	sst s0;
	s0 =	simm.s32 @!p2 $0x0  }
0x16: {  	s3 =	sld [smem:$0x3FDB];
	s0 =	simm.s32 @p2 $0x1  }
0x17: {  	s4 =	simm.s32 $0x1BF5;
	[smem:$0x3FB6] =	sst s0  }
0x18: {  	s0 =	sld [smem:$0x3F99];
	_ =	swait.ge [sflag:s4], $0x0  }
0x19: {  	s7 =	sld [smem:$0x3F9A]  }
0x1a: {  	s8 =	sadd.s32 $0xFFFFE003, lr  }
0x1b: {  	s9 =	sadd.s32 $0xFFFFFEF7, lr;
	s5 =	simm.s32 $0xFFFFFFFF;
	p2 =	slt.u32 s8, $0xFFFFF086  }
0x1c: {  	p1 =	slt.u32 s9, $0xF7A;
	s5 =	simm.s32 @!p2 $0x0  }
0x1d: {  	s5 =	simm.s32 @p1 $0x1;
	p0 =	seq.s32 s7, s2  }
0x1e: {  	s7 =	smul.u32 @!p0 $0xF7A, s2;
	p2 =	seq.s32 @!p0 s5, $0x0  }
0x1f: {  	s9 =	smul.u32 $0xF7A, s1;
	s8 =	simm.s32 @!p0 $0x1BF5;
	p2 =	por !p2, p0  }
0x20: {  	[sflag:s8] =	ssyncset.s32 @!p0 $0xFFFFF086;
	s6 =	sadd.s32 @!p0 s3, s7;
	s7 =	simm.s32 @!p0 $0x108  }
0x21: {  	s3 =	sadd.s32 s3, s9;
	s6 =	sadd.s32 @!p0 $0x88, s6;
	s7 =	simm.s32 @p2 $0x1082  }
0x22: {  	[simem:s7], [sflag:s8] =	dma.local @!p0 [hbm:s6], $0xF7A  }
0x23: {  	s9 =	sor.u32 $0xD0000000, s2;
	s6 =	simm.s32 $0x108;
	_ =	swait.ge @!p0 [sflag:s8], $0x0  }
0x24: {  	s3 =	sadd.s32 $0x88, s3;
	s6 =	simm.s32 @!p1 $0x1082;
	[sflag:s4] =	ssyncset.s32 $0xFFFFF086  }
0x25: {  	[simem:s6], [sflag:s4] =	dma.local [hbm:s3], $0xF7A  }
0x26: {  	[smem:$0x3F9A] =	sst s1;
	(tag) =	ssettag s2;
	_ =	strace s9  }
0x27: {  	s1 =	sld [smem:$0x3FAA]  }
0x28: {  	s2 =	sld [smem:$0x3FAB]  }
0x29: {  	s4 =	sld [smem:$0x3FAD]  }
0x2a: {  	p0 =	seq.s32 s5, $0x0;
	s5 =	sld [smem:$0x3FAE]  }
0x2b: {  	s6 =	sld [smem:$0x3FAF]  }
0x2c: {  	s7 =	sld [smem:$0x3FB0]  }
0x2d: {  	s3 =	simm.s32 $0x108;
	s8 =	sld [smem:$0x3FB1]  }
0x2e: {  	s3 =	simm.s32 @!p0 $0x1082;
	s9 =	sld [smem:$0x3FB2]  }
0x2f: {  	lr =	sadd.s32 s0, s3;
	s0 =	sld [smem:$0x3FA9]  }
0x30: {  	s3 =	sld [smem:$0x3FAC]  }
0x31: {  	[smem:$0x3FB5] =	sst s10  }
0x32: {  	s10 =	sld [smem:$0x3FB3];
	_ =	sdelay $0x3  }
0x33: {  	p0 =	seq.s32 s10, $0x1;
	s10 =	sld [smem:$0x3FB5];
	_ =	sdelay $0x3  }
0x34: {  	[smem:$0x3FB5] =	sst s10  }
0x35: {  	s10 =	sld [smem:$0x3FB4];
	_ =	sdelay $0x3  }
0x36: {  	p1 =	seq.s32 s10, $0x1;
	s10 =	sld [smem:$0x3FB5];
	_ =	sdelay $0x3  }
0x37: {  	[smem:$0x3FB5] =	sst s10  }
0x38: {  	s10 =	sld [smem:$0x3FB6]  }
0x39: {  	_ = 	snop;
	(pc) =	sbr.ind lr, $3  }
0x3a: {  	_ = 	snop  }
0x3b: {  	_ = 	snop  }
0x3c: {  	p2 =	seq.s32 s10, $0x1;
	s10 =	sld [smem:$0x3FB5]  }
0x3d: {  	_ =	shalt  }
0x3e: {  	_ =	shalt  }
0x3f: {  	_ =	shalt  }
0x40: {  	_ =	shalt  }
0x41: {  	_ =	shalt  }
0x42: {  	_ =	shalt  }
0x43: {  	_ =	shalt  }
0x44: {  	_ =	shalt  }
0x45: {  	_ =	shalt  }
0x46: {  	_ =	shalt  }
0x47: {  	_ =	shalt  }
0x48: {  	_ =	shalt  }
0x49: {  	_ =	shalt  }
0x4a: {  	_ =	shalt  }
0x4b: {  	_ =	shalt  }
0x4c: {  	_ =	shalt  }
0x4d: {  	_ =	shalt  }
0x4e: {  	_ =	shalt  }
0x4f: {  	_ =	shalt  }
0x50: {  	_ =	shalt  }
0x51: {  	_ =	shalt  }
0x52: {  	_ =	shalt  }
0x53: {  	_ =	shalt  }
0x54: {  	_ =	shalt  }
0x55: {  	_ =	shalt  }
0x56: {  	_ =	shalt  }
0x57: {  	_ =	shalt  }
0x58: {  	_ =	shalt  }
0x59: {  	_ =	shalt  }
0x5a: {  	_ =	shalt  }
0x5b: {  	_ =	shalt  }
0x5c: {  	_ =	shalt  }
0x5d: {  	_ =	shalt  }
0x5e: {  	_ =	shalt  }
0x5f: {  	_ =	shalt  }
0x60: {  	_ =	shalt  }
0x61: {  	_ =	shalt  }
0x62: {  	_ =	shalt  }
0x63: {  	_ =	shalt  }
0x64: {  	_ =	shalt  }
0x65: {  	_ =	shalt  }
0x66: {  	_ =	shalt  }
0x67: {  	_ =	shalt  }
0x68: {  	_ =	shalt  }
0x69: {  	_ =	shalt  }
0x6a: {  	_ =	shalt  }
0x6b: {  	_ =	shalt  }
0x6c: {  	_ =	shalt  }
0x6d: {  	_ =	shalt  }
0x6e: {  	_ =	shalt  }
0x6f: {  	_ =	shalt  }
0x70: {  	_ =	shalt  }
0x71: {  	_ =	shalt  }
0x72: {  	_ =	shalt  }
0x73: {  	_ =	shalt  }
0x74: {  	_ =	shalt  }
0x75: {  	_ =	shalt  }
0x76: {  	_ =	shalt  }
0x77: {  	_ =	shalt  }
0x78: {  	_ =	shalt  }
0x79: {  	_ =	shalt  }
0x7a: {  	_ =	shalt  }
0x7b: {  	_ =	shalt  }
0x7c: {  	_ =	shalt  }
0x7d: {  	_ =	shalt  }
0x7e: {  	_ =	shalt  }
0x7f: {  	_ =	shalt  }
0x80: {  	_ =	shalt  }
0x81: {  	_ =	shalt  }
0x82: {  	_ =	shalt  }
0x83: {  	_ =	shalt  }
0x84: {  	_ =	shalt  }
0x85: {  	_ =	shalt  }
0x86: {  	_ =	shalt  }
0x87: {  	_ =	shalt  }
.Lfunc_end0:
.L_simem_size_0:
called_computation_lowered:
.L_overlay_start_0:
0x88: {  	s2 =	sld [smem:$0x3FD9]  }
0x89: {  	s3 =	sld [smem:$0x3FFE];
	_ =	sdelay $0x1  }
0x8a: {  	s1 =	srdreg.scid  }
0x8b: {  	s0 =	sand.u32 $0x1, s1  }
0x8c: {  	s16 =	sshll.u32 s0, $0xA;
	s2 =	sadd.s32 s3, s2  }
0x8d: {  	s2 =	sadd.s32 s2, s16  }
0x8e: {  	[smem:$0x3FC1] =	sst s2  }
0x8f: {  	_ = 	snop  }
0x90: {  	(tm) =	ssettm $0x1  }
0x91: {  	s17 =	sld [smem:$0x3FFB];
	_ =	sdelay $0x3  }
0x92: {  	_ =	strace s17  }
0x93: {  	s2 =	sld [smem:$0x3FFC];
	_ =	sdelay $0x3  }
0x94: {  	_ =	strace s2  }
0x95: {  	s2 =	sld [smem:$0x3FFD];
	_ =	sdelay $0x3  }
0x96: {  	_ =	strace s2  }
0x97: {  	_ =	strace $0x8FFFFFFF  }
0x98: {  	s18 =	sld [smem:$0x3FDB];
	_ =	sdelay $0x1  }
0x99: {  	s19 =	simm.s32 $_scs_section_size  }
0x9a: {  	s4 =	simm.s32 $_size__tile_overlayer_lowered;
	s5 =	simm.s32 $_tile_overlayer_lowered  }
0x9b: {  	s22 =	simm.s32 $0x1BFF;
	s21 =	sshll.u32 s5, $0x1;
	s2 =	sadd.s32 s19, s18  }
0x9c: {  	s6 =	simm.s32 $0x0;
	s20 =	sshll.u32 s4, $0x1;
	s4 =	sadd.s32 s21, s2  }
0x9d: {  	[timem:s6], [sflag:s22] =	dma.local [hbm:s4], s20  }
0x9e: {  	_ =	swait.ge [sflag:s22], s20  }
0x9f: {  	s3 =	ssub.s32 $0x0, s20;
	[sflag:s22] =	ssyncset.done $0x0  }
0xa0: {  	[sflag:s22] =	ssyncadd.s32 s3;
	_ =	sdelay $0x1  }
0xa1: {  	s23 =	simm.s32 $0x1B8B  }
0xa2: {  	_ =	swait.ge [sflag:s23], $0x1  }
0xa3: {  	[sflag:s23] =	ssyncset.done $0x0  }
0xa4: {  	s25 =	simm.s32 $0x1B8E;
	s24 =	sld [smem:$0x3FFE];
	[sflag:s23] =	ssyncadd.s32 $0xFFFFFFFF  }
0xa5: {  	s26 =	simm.s32 $execute0_lowered;
	[smem:$0x3FD2] =	sst s25  }
0xa6: {  	s4 =	sshll.u32 s26, $0x1;
	_ =	strace $0x80000046;
	[dreg:$0x1] =	wrdreg $0xFFFFFFFF  }
0xa7: {  	s28 =	simm.s32 $_size_execute0_lowered;
	s2 =	sadd.s32 s2, s4;
	[dreg:$0x0] =	wrdreg $0x0  }
0xa8: {  	s4 =	sshll.u32 s28, $0x1;
	[dreg:$0x2] =	wrdreg s2  }
0xa9: {  	[dreg:$0x3] =	wrdreg s4  }
0xaa: {  	[dreg:$0x4] =	wrdreg $0xC0  }
0xab: {  	_ =	task [dreg:s6], $0x5FFFF  }
0xac: {  	[dreg:$0x1] =	wrdreg $0xFFFFFFFF  }
0xad: {  	[dreg:$0x0] =	wrdreg $0x60  }
0xae: {  	[dreg:$0x2] =	wrdreg s24  }
0xaf: {  	[dreg:$0x3] =	wrdreg $0x9  }
0xb0: {  	_ =	task.clear_ibuf [dreg:s6], $0x4FFFF;
	_ =	strace $0x90000046  }
0xb1: {  	s29 =	simm.s32 $0x9;
	_ =	strace $0x80000048  }
0xb2: {  	_ =	swait.ge [sflag:s29], $0x1  }
0xb3: {  	[sflag:s29] =	ssyncadd.s32 $0xFFFFFFFF  }
0xb4: {  	_ =	strace $0x90000048  }
0xb5: {  	_ =	sfence  }
0xb6: {  	s30 =	sld [smem:$0x0];
	_ =	sdelay $0x2  }
0xb7: {  	s31 =	sshll.u32 s1, $0xD;
	s1 =	sshrl.u32 s1, $0x2  }
0xb8: {  	s3 =	sand.u32 $0x4000, s31;
	s1 =	sadd.s32 s1, s30  }
0xb9: {  	s0 =	sor.u32 s3, s0;
	s1 =	sshll.u32 s1, $0x11  }
0xba: {  	s0 =	sor.u32 s1, s0  }
0xbb: {  	s0 =	sadd.s32 $0x8F2B, s0  }
0xbc: {  	[sflag:s0] =	ssyncadd.remote.s32 $0x1  }
0xbd: {  	_ =	sfence.sel $0xFFFF  }
0xbe: {  	[dreg:$0x0] =	wrdreg $0xFFFFFFFF;
	(pc) =	sbr.abs _section_cstart, $3  }
0xbf: {  	[dreg:$0x1] =	wrdreg $0xFFFFFFFF  }
0xc0: {  	_ =	task.clear_ibuf [dreg:s6], $0x2FFFF;
	_ =	strace $0x9FFFFFFF  }
0xc1: {  	(tm) =	ssettm $0x7FFFFFFF  }
tec
execute0_lowered:
.L_overlay_start_1:
0x0: {  	(tag) =	ssettag $0x1  }
0x1: {  	s1 =	srdreg.scid;
	s0 =	stileid.u32  }
0x2: {  	s10 =	sand.u32 $0x1, s1;
	s31 =	sshll.u32 s0, $0x1  }
0x3: {  	s6 =	sor.u32 s10, s31  }
0x4: {  	s9 =	rddreg [dreg:$0x0];
	s3 =	smul.u32 $0xC0, s6  }
0x5: {  	s2 =	simm.s32 $0x0;
	s1 =	rddreg [dreg:$0x1]  }
0x6: {  	[smem:$0x7FF] =	sst s2;
	s3 =	sadd.s32 s3, s9  }
0x7: {  	_ =	strace $0x80000047;
	s4 =	sadd.s32 $0x3000, s3;
	s3 =	simm.s32 $0x2  }
0x8: {  	[tilespmem:s2], [sflag:$0x2] =	stream.linear.gather [hbm4b:s4+s2], $0x600, $0x38;
	[tilespmem:$0x18600] =	vst v63  }
0x9: {  	s7 =	simm.s32 $0x600;
	_ =	swait.ge [sflag:s3], $0x600  }
0xa: {  	s8 =	simm.s32 $0x1;
	s5 =	sadd.s32 $0x2DC7C00, s9;
	[sflag:s3] =	ssyncset.done $0x0  }
0xb: {  	s11 =	smul.u32 $0x6000, s6;
	s6 =	simm.s32 $0x300;
	[sflag:s3] =	ssyncadd.s32 $0xFFFFFA00  }
0xc: {  	[tilespmem:s7], [sflag:$0x1] =	stream.indirect.gather [hbm4b:s5+s6], $0x80, s2, s6, $0xb8;
	[tilespmem:$0x18600] =	vst v63  }
0xd: {  	_ =	swait.ge [sflag:s8], $0x18000  }
0xe: {  	s11 =	sadd.s32 s11, s9;
	[sflag:s8] =	ssyncset.done $0x0  }
0xf: {  	s10 =	ssub.s32 $0x2, s10;
	s9 =	sadd.s32 $0x4800, s11;
	[sflag:s8] =	ssyncadd.s32 $0xFFFE8000  }
0x10: {  	[hbm4b:s9+s2] =	stream.linear.scatter [tilespmem:s7], [sflag:$0x2], $0x18000, $0x38;
	[tilespmem:$0x18600] =	vst v63  }
0x11: {  	s12 =	sshrl.u32 s10, $0x1;
	_ =	swait.ge [sflag:s3], $0x18000  }
0x12: {  	s10 =	ssub.s32 s10, s12;
	[sflag:s3] =	ssyncset.done $0x0  }
0x13: {  	s12 =	smax.u32 s10, $0x1;
	[sflag:s3] =	ssyncadd.s32 $0xFFFE8000  }
0x14: {  	[tilespmem:s7], [sflag:$0x1] =	stream.indirect.gather [hbm4b:s5+s6], $0x80, s6, s6, $0xb8;
	[tilespmem:$0x18600] =	vst v63  }
0x15: {  	p0 =	sne.s32 s12, $0x1;
	_ =	swait.ge [sflag:s8], $0x18000  }
.Ltmp0:
0x16: {  	[sflag:s8] =	ssyncset.done $0x0;
	(pc) =	sbr.rel @!p0 .LBB2_2-.Ltmp0, $4  }
0x17: {  	s10 =	sadd.s32 $0x7800, s11;
	[sflag:s8] =	ssyncadd.s32 $0xFFFE8000  }
0x18: {  	[hbm4b:s10+s2] =	stream.linear.scatter [tilespmem:s7], [sflag:$0x2], $0x18000, $0x38;
	[tilespmem:$0x18600] =	vst v63  }
0x19: {  	_ =	swait.ge [sflag:s3], $0x18000  }
0x1a: {  	s11 =	sadd.s32 $0xFFFFFFFF, s12;
	[sflag:s3] =	ssyncset.done $0x0  }
.LBB2_1:
0x1b: {  	p0 =	sne.s32 s11, $0x1;
	s11 =	sadd.s32 $0xFFFFFFFF, s11;
	[sflag:s3] =	ssyncadd.s32 $0xFFFE8000  }
0x1c: {  	[tilespmem:s2], [sflag:$0x2] =	stream.linear.gather [hbm4b:s4+s2], $0x600, $0x38;
	[tilespmem:$0x18600] =	vst v63  }
0x1d: {  	_ =	swait.ge [sflag:s3], $0x600  }
0x1e: {  	[sflag:s3] =	ssyncset.done $0x0  }
0x1f: {  	[sflag:s3] =	ssyncadd.s32 $0xFFFFFA00  }
0x20: {  	[tilespmem:s7], [sflag:$0x1] =	stream.indirect.gather [hbm4b:s5+s6], $0x80, s2, s6, $0xb8;
	[tilespmem:$0x18600] =	vst v63  }
0x21: {  	_ =	swait.ge [sflag:s8], $0x18000  }
0x22: {  	[sflag:s8] =	ssyncset.done $0x0  }
0x23: {  	[sflag:s8] =	ssyncadd.s32 $0xFFFE8000  }
0x24: {  	[hbm4b:s9+s2] =	stream.linear.scatter [tilespmem:s7], [sflag:$0x2], $0x18000, $0x38;
	[tilespmem:$0x18600] =	vst v63  }
0x25: {  	_ =	swait.ge [sflag:s3], $0x18000  }
0x26: {  	[sflag:s3] =	ssyncset.done $0x0  }
0x27: {  	[sflag:s3] =	ssyncadd.s32 $0xFFFE8000  }
0x28: {  	[tilespmem:s7], [sflag:$0x1] =	stream.indirect.gather [hbm4b:s5+s6], $0x80, s6, s6, $0xb8;
	[tilespmem:$0x18600] =	vst v63  }
0x29: {  	_ =	swait.ge [sflag:s8], $0x18000  }
.Ltmp1:
0x2a: {  	[sflag:s8] =	ssyncset.done $0x0;
	(pc) =	sbr.rel @p0 .LBB2_1-.Ltmp1, $4  }
0x2b: {  	[sflag:s8] =	ssyncadd.s32 $0xFFFE8000  }
0x2c: {  	[hbm4b:s10+s2] =	stream.linear.scatter [tilespmem:s7], [sflag:$0x2], $0x18000, $0x38;
	[tilespmem:$0x18600] =	vst v63  }
0x2d: {  	_ =	swait.ge [sflag:s3], $0x18000  }
0x2e: {  	[sflag:s3] =	ssyncset.done $0x0  }
.LBB2_2:
0x2f: {  	[sflag:s3] =	ssyncadd.s32 $0xFFFE8000  }
0x30: {  	_ =	sfence.sel $0x180000  }
0x31: {  	[bflag:$0x0] =	sbarrier.arrive $0xFFFF  }
0x32: {  	p0 =	sne.s32 s0, $0x0;
	_ =	strace $0x90000047  }
0x33: {  	s0 =	sadd.s32 @!p0 $0x100000, s1;
	[bflag:$0x2] =	sbarrier.arrive $0xFFFF  }
0x34: {  	[sflag:s0] =	ssyncadd.tile.s32 @!p0 $0x1;
	_ =	shalt  }
.Lfunc_end2:
_tile_overlayer_lowered:
.L_overlay_start_2:
0x35: {  	(tag) =	ssettag $0x2  }
0x36: {  	s0 =	rddreg [dreg:$0x0];
	s2 =	stileid.u32  }
0x37: {  	s1 =	rddreg [dreg:$0x1];
	p0 =	sne.s32 s2, $0x0  }
0x38: {  	s3 =	rddreg [dreg:$0x2];
	[bflag:$0x3] =	sbarrier.arrive $0xFFFF;
	s2 =	simm.s32 @!p0 $0x1C02  }
0x39: {  	[timem:s3], [sflag:s2] =	dma.local @!p0 [hbm:s0], s1  }
0x3a: {  	s0 =	simm.s32 @!p0 $0x2  }
0x3b: {  	_ =	swait.ge @!p0 [sflag:s0], s1  }
0x3c: {  	s1 =	ssub.s32 @!p0 $0x0, s1;
	[sflag:s0] =	ssyncset.done @!p0 $0x0  }
0x3d: {  	[sflag:s0] =	ssyncadd.s32 @!p0 s1  }
0x3e: {  	[bflag:$0x3] =	sbarrier.arrive $0xFFFF  }
0x3f: {  	_ =	shalt  }

</sc_bundles>
